<compile_context>
chip_gen: v7x
topology: tpu7x:2x2x1
jax: 0.10.2.dev20260603
libtpu: 0.0.44.dev20260713+nightly
codegen_flags: <defaults>
</compile_context>

<pallas_src>
import jax
import jax.numpy as jnp
from jax.experimental import pallas as pl

B, C, H, W = 32, 768, 24, 24
R = C * H * W // 128


def _body(x_ref, o_ref):
    o_ref[...] = x_ref[...]


def kernel(x, anatomy_idx, emb_table):
    xf = x.reshape(B, R, 128)
    out = pl.pallas_call(
        _body,
        grid=(B,),
        in_specs=[pl.BlockSpec((1, R, 128), lambda b: (b, 0, 0))],
        out_specs=pl.BlockSpec((1, R, 128), lambda b: (b, 0, 0)),
        out_shape=jax.ShapeDtypeStruct((B, R, 128), jnp.float32),
    )(xf)
    return out.reshape(B, C, H, W)

# --- scband reference (transcript-rebuilt; emitter-appended) ---
"""Pipeline reference for scband-anatomy-embedding-1202590842981 (READ-ONLY COPY).

The authoritative reference and input builder live on the scoring server;
editing this copy changes nothing except your own understanding.
"""

import jax, jax.numpy as jnp
import numpy as np


def setup_inputs(seed: int = 0) -> dict:
    key = jax.random.key(seed)
    k1, k2, k3 = jax.random.split(key, 3)
    x = jax.random.normal(k1, (32, 768, 24, 24), dtype=jnp.float32)
    anatomy_idx = jax.random.randint(k2, (32,), 0, 3, dtype=jnp.int64 if jax.config.jax_enable_x64 else jnp.int32)
    emb_table = jax.random.normal(k3, (3, 768), dtype=jnp.float32)
    return {"x": x, "anatomy_idx": anatomy_idx, "emb_table": emb_table}


def reference(x, anatomy_idx, emb_table):
    # e = self.emb(anatomy_idx)  -> embedding lookup (gather)
    e = jnp.take(emb_table, anatomy_idx, axis=0)  # [B, C]
    # e = e[:, :, None, None]; return x + e
    return x + e[:, :, None, None]

if __name__ == "__main__":
    import jax
    _d = setup_inputs()
    print(jax.jit(kernel)(*tuple(_d.values())))

</pallas_src>

<mosaic_0001>
module attributes {stable_mosaic.version = 14 : i64} {
  func.func @_body(%arg0: i32, %arg1: memref<1x3456x128xf32, #tpu.memory_space<vmem>>, %arg2: memref<1x3456x128xf32, #tpu.memory_space<vmem>>) attributes {dimension_semantics = [#tpu.dimension_semantics<arbitrary>], iteration_bounds = array<i64: 32>, scalar_prefetch = 0 : i64, scratch_operands = 0 : i64, tpu.core_type = #tpu.core_type<tc>, window_params = [{transform_indices = @transform_0, window_bounds = array<i64: 1, 3456, 128>}, {transform_indices = @transform_1, window_bounds = array<i64: 1, 3456, 128>}]} {
    %get3A = arith.constant 0 : index
    %get3A_0 = arith.constant 0 : index
    %get3A_1 = arith.constant 0 : index
    %get3A_2 = vector.load %arg1[%get3A, %get3A_0, %get3A_1] : memref<1x3456x128xf32, #tpu.memory_space<vmem>>, vector<1x3456x128xf32>
    %swap3A = arith.constant 0 : index
    %swap3A_3 = arith.constant 0 : index
    %swap3A_4 = arith.constant 0 : index
    %swap3A_5 = vector.load %arg2[%swap3A, %swap3A_3, %swap3A_4] : memref<1x3456x128xf32, #tpu.memory_space<vmem>>, vector<1x3456x128xf32>
    tpu.vector_store %arg2[%swap3A, %swap3A_3, %swap3A_4], %get3A_2 {strides = array<i32>} : memref<1x3456x128xf32, #tpu.memory_space<vmem>>, vector<1x3456x128xf32>,
    return
  }
  func.func @transform_0(%arg0: i32) -> (i32, i32, i32) {
    %c0_i32 = arith.constant 0 : i32
    %c0_i32_0 = arith.constant 0 : i32
    %c0_i32_1 = arith.constant 0 : i32
    return %arg0, %c0_i32, %c0_i32_0 : i32, i32, i32
  }
  func.func @transform_1(%arg0: i32) -> (i32, i32, i32) {
    %c0_i32 = arith.constant 0 : i32
    %c0_i32_0 = arith.constant 0 : i32
    %c0_i32_1 = arith.constant 0 : i32
    return %arg0, %c0_i32, %c0_i32_0 : i32, i32, i32
  }
}

</mosaic_0001>

<sc_bundles>
// kernel: sparse-core-data-format-call.cloned.1.call-start
scs
called_computation_lowered:
.L_overlay_start_0:
0x0: {  	s2 =	sld [smem:$0x3FD9]  }
0x1: {  	s3 =	sld [smem:$0x3FFE];
	_ =	sdelay $0x1  }
0x2: {  	s1 =	srdreg.scid  }
0x3: {  	s0 =	sand.u32 $0x1, s1  }
0x4: {  	s18 =	sshll.u32 s0, $0xA;
	s2 =	sadd.s32 s3, s2  }
0x5: {  	s2 =	sadd.s32 s2, s18  }
0x6: {  	[smem:$0x3FC7] =	sst s2  }
0x7: {  	_ = 	snop  }
0x8: {  	s2 =	sld [smem:$0x3FD0];
	(tm) =	ssettm $0x1  }
0x9: {  	s19 =	sld [smem:$0x3FFB];
	_ =	sdelay $0x3  }
0xa: {  	_ =	strace s19  }
0xb: {  	s3 =	sld [smem:$0x3FFC];
	_ =	sdelay $0x3  }
0xc: {  	_ =	strace s3  }
0xd: {  	s3 =	sld [smem:$0x3FFD];
	_ =	sdelay $0x3  }
0xe: {  	_ =	strace s3  }
0xf: {  	_ =	strace $0x8FFFFFFF  }
0x10: {  	s20 =	sld [smem:$0x3FDB];
	_ =	sdelay $0x1  }
0x11: {  	s4 =	simm.s32 $_scs_section_size  }
0x12: {  	s5 =	simm.s32 $_size__tile_overlayer_lowered;
	s6 =	simm.s32 $_tile_overlayer_lowered  }
0x13: {  	s23 =	simm.s32 $0x1BFF;
	s22 =	sshll.u32 s6, $0x1;
	s3 =	sadd.s32 s4, s20  }
0x14: {  	s7 =	simm.s32 $0x0;
	s21 =	sshll.u32 s5, $0x1;
	s5 =	sadd.s32 s22, s3  }
0x15: {  	[timem:s7], [sflag:s23] =	dma.local [hbm:s5], s21  }
0x16: {  	_ =	swait.ge [sflag:s23], s21  }
0x17: {  	s4 =	ssub.s32 $0x0, s21;
	[sflag:s23] =	ssyncset.done $0x0  }
0x18: {  	[sflag:s23] =	ssyncadd.s32 s4;
	_ =	sdelay $0x1  }
0x19: {  	s24 =	simm.s32 $0x1B8B  }
0x1a: {  	_ =	swait.ge [sflag:s24], $0x1  }
0x1b: {  	[sflag:s24] =	ssyncset.done $0x0  }
0x1c: {  	s26 =	simm.s32 $0x1B8E;
	s25 =	sld [smem:$0x3FFE];
	[sflag:s24] =	ssyncadd.s32 $0xFFFFFFFF  }
0x1d: {  	s27 =	simm.s32 $execute0_lowered;
	[smem:$0x3FD2] =	sst s26  }
0x1e: {  	s5 =	sshll.u32 s27, $0x1;
	_ =	strace $0x80000046;
	[dreg:$0x1] =	wrdreg $0xFFFFFFFF  }
0x1f: {  	s28 =	simm.s32 $_size_execute0_lowered;
	s3 =	sadd.s32 s3, s5;
	[dreg:$0x0] =	wrdreg $0x0  }
0x20: {  	s5 =	sshll.u32 s28, $0x1;
	[dreg:$0x2] =	wrdreg s3  }
0x21: {  	[dreg:$0x3] =	wrdreg s5  }
0x22: {  	[dreg:$0x4] =	wrdreg $0xC0  }
0x23: {  	_ =	task [dreg:s7], $0x5FFFF  }
0x24: {  	[dreg:$0x1] =	wrdreg $0xFFFFFFFF  }
0x25: {  	[dreg:$0x0] =	wrdreg $0x60  }
0x26: {  	[dreg:$0x2] =	wrdreg s25  }
0x27: {  	[dreg:$0x3] =	wrdreg s2  }
0x28: {  	[dreg:$0x4] =	wrdreg $0x9  }
0x29: {  	_ =	task.clear_ibuf [dreg:s7], $0x5FFFF;
	_ =	strace $0x90000046  }
0x2a: {  	s29 =	simm.s32 $0x9;
	_ =	strace $0x80000048  }
0x2b: {  	_ =	swait.ge [sflag:s29], $0x1  }
0x2c: {  	[sflag:s29] =	ssyncadd.s32 $0xFFFFFFFF  }
0x2d: {  	_ =	strace $0x90000048  }
0x2e: {  	_ =	sfence  }
0x2f: {  	s30 =	sld [smem:$0x0];
	_ =	sdelay $0x2  }
0x30: {  	s31 =	sshll.u32 s1, $0xD;
	s1 =	sshrl.u32 s1, $0x2  }
0x31: {  	s3 =	sand.u32 $0x4000, s31;
	s1 =	sadd.s32 s1, s30  }
0x32: {  	s0 =	sor.u32 s3, s0;
	s1 =	sshll.u32 s1, $0x11  }
0x33: {  	s0 =	sor.u32 s1, s0  }
0x34: {  	s0 =	sadd.s32 $0x8F2B, s0  }
0x35: {  	[sflag:s0] =	ssyncadd.remote.s32 $0x1  }
0x36: {  	_ =	sfence.sel $0xFFFF  }
0x37: {  	[dreg:$0x0] =	wrdreg $0xFFFFFFFF;
	(pc) =	sbr.abs _section_cstart, $3  }
0x38: {  	[dreg:$0x1] =	wrdreg $0xFFFFFFFF  }
0x39: {  	_ =	task.clear_ibuf [dreg:s7], $0x2FFFF;
	_ =	strace $0x9FFFFFFF  }
0x3a: {  	(tm) =	ssettm $0x7FFFFFFF  }
0x3b: {  	_ =	shalt  }
tec
execute0_lowered:
.L_overlay_start_1:
0x0: {  	(tag) =	ssettag $0x1  }
0x1: {  	s0 =	rddreg [dreg:$0x0];
	_ =	strace $0x80000047;
	s3 =	stileid.u32  }
0x2: {  	s15 =	srdreg.scid;
	s7 =	simm.s32 $0x1;
	s26 =	simm.s32 $0x2  }
0x3: {  	s27 =	simm.s32 $0x0;
	s31 =	simm.s32 $0x0;
	s1 =	sadd.s32 $0x1B0400, s0  }
0x4: {  	s2 =	sshll.u32 s3, $0x4;
	s8 =	sadd.s32 $0x1F8400, s0;
	[dreg:$0x3] =	wrdreg s1  }
0x5: {  	s3 =	sshll.u32 s3, $0x6;
	s20 =	sadd.s32 $0x240400, s0;
	[dreg:$0x4] =	wrdreg s8  }
0x6: {  	s4 =	sand.u32 $0x1, s15;
	s21 =	sadd.s32 $0x288400, s0;
	[dreg:$0x5] =	wrdreg s20  }
0x7: {  	[sflag:s7] =	ssyncpa.u1 $0x0;
	s22 =	sadd.s32 $0x2D0400, s0;
	[dreg:$0x6] =	wrdreg s21  }
0x8: {  	s23 =	sadd.s32 $0x318400, s0;
	s24 =	sadd.s32 $0x360400, s0;
	[dreg:$0x7] =	wrdreg s22  }
0x9: {  	s25 =	sadd.s32 $0x3A8400, s0;
	s15 =	sadd.s32 $0x3F0400, s0;
	[dreg:$0x8] =	wrdreg s23  }
0xa: {  	s5 =	sand.u32 $0x10, s2;
	s6 =	sand.u32 $0x380, s3;
	[dreg:$0x9] =	wrdreg s24  }
0xb: {  	s18 =	ssub.s32 $0x18, s4;
	[dreg:$0xa] =	wrdreg s25;
	s2 =	ssub.s32 $0x300, s6  }
0xc: {  	[sflag:s26] =	ssyncpa.u1 $0x0;
	s16 =	ssub.s32 $0x20, s5;
	p0 =	sgt.s32 s2, $0x0  }
0xd: {  	s20 =	sadd.s32 $0x510400, s0;
	s17 =	sshrl.u32 s16, $0x4;
	s2 =	simm.s32 @!p0 $0x0  }
0xe: {  	s1 =	sshrl.u32 s16, $0x5;
	s3 =	sand.u32 $0x1, s17;
	s2 =	sand.u32 $0x380, s2  }
0xf: {  	s19 =	sshrl.u32 s18, $0x1;
	s1 =	sadd.s32 s1, s3;
	p0 =	seq.s32 s2, $0x0  }
0x10: {  	s21 =	sadd.s32 $0x558400, s0;
	s2 =	ssub.s32 s18, s19;
	s1 =	simm.s32 @p0 $0x0  }
0x11: {  	s22 =	sadd.s32 $0x5A0400, s0;
	s23 =	sadd.s32 $0x5E8400, s0;
	s1 =	smul.u32 s1, s2  }
.Ltmp0:
0x12: {  	s25 =	simm.s32 $0xC00;
	s26 =	simm.s32 $0x0;
	(pc) =	sbr.rel .LBB1_1-.Ltmp0, $4  }
0x13: {  	s28 =	smov.u32 s4;
	s29 =	smov.u32 s6;
	s30 =	smov.u32 s5  }
0x14: {  	s16 =	sadd.s32 $0x438400, s0;
	s18 =	sadd.s32 $0x480400, s0;
	s17 =	smul.u32 $0x3, s1  }
0x15: {  	s19 =	sadd.s32 $0x4C8400, s0;
	s0 =	simm.s32 $0x0;
	p0 =	por $0x0, $0x0  }
0x16: {  	s2 =	simm.s32 $0x0;
	s1 =	simm.s32 $0x0;
	s24 =	sadd.s32 $0x1, s17  }
.LBB1_9:
0x17: {  	s3 =	sadd.s32 $0x8, s27  }
0x18: {  	s0 =	sadd.s32 $0x2, s28;
	s8 =	smov.u32 s28;
	p2 =	sgt.s32 s3, $0x17  }
0x19: {  	s8 =	smov.u32 @p2 s0  }
0x1a: {  	s9 =	smov.u32 s29;
	s0 =	sadd.s32 $0x400, s29;
	p3 =	sgt.s32 s8, $0x17  }
0x1b: {  	s9 =	smov.u32 @p3 s0  }
0x1c: {  	s10 =	smov.u32 s30;
	s0 =	sadd.s32 $0x20, s30;
	p4 =	sgt.s32 s9, $0x2FF  }
0x1d: {  	p1 =	slt.u32 s31, $0x2;
	s10 =	smov.u32 @p4 s0  }
0x1e: {  	s2 =	smov.u32 s27;
	s3 =	simm.s32 @p2 $0x0;
	p2 =	sgt.s32 s10, $0x1F  }
0x1f: {  	s11 =	simm.s32 @!p1 $0x2;
	s10 =	smov.u32 @p2 s5;
	p2 =	sne.s32 s31, s24  }
.Ltmp1:
0x20: {  	s26 =	smov.u32 s29;
	_ =	swait.ge @!p1 [sflag:s11], $0x4000;
	(pc) =	sbr.rel @!p2 .LBB1_10-.Ltmp1, $4  }
0x21: {  	s1 =	smov.u32 s30;
	p0 =	por !p0, !p0;
	[sflag:s11] =	ssyncset.done @!p1 $0x0  }
0x22: {  	s27 =	smov.u32 s3;
	s8 =	smov.u32 @p3 s4;
	[sflag:s11] =	ssyncadd.s32 @!p1 $0xFFFFC000  }
0x23: {  	s9 =	smov.u32 @p4 s6;
	s0 =	smov.u32 s28;
	s28 =	smov.u32 s8  }
0x24: {  	s29 =	smov.u32 s9;
	s31 =	sadd.s32 $0x1, s31;
	s30 =	smov.u32 s10  }
.LBB1_1:
0x25: {  	p1 =	sge.u32 s31, s17  }
.Ltmp2:
0x26: {  	_ = 	snop;
	(pc) =	sbr.rel @p1 .LBB1_3-.Ltmp2, $1  }
0x27: {  	_ =	sdelay $0x3  }
0x28: {  	s3 =	sshll.u32 s28, $0x7;
	s8 =	sshll.u32 s27, $0x3  }
0x29: {  	s9 =	sand.u32 $0xFFFFFC00, s3;
	s8 =	sand.u32 $0xFFFFFC00, s8  }
0x2a: {  	s3 =	sand.u32 $0x380, s3;
	s8 =	sadd.s32 s9, s8  }
0x2b: {  	s3 =	sor.u32 s3, s8  }
0x2c: {  	s12 =	sshrl.u32 s3, $0x7  }
0x2d: {  	s3 =	smulhi.u32 $0xAAAAAAB, s12  }
0x2e: {  	s8 =	smul.u32 $0x180, s29  }
0x2f: {  	s10 =	smul.u32 $0x18, s3  }
0x30: {  	s13 =	sshrl.u32 s27, $0x3;
	s3 =	smul.u32 $0x48000, s30  }
0x31: {  	s11 =	sxor.u32 $0xFFFFFFFF, s31;
	s9 =	sand.u32 $0xF, s13  }
0x32: {  	s13 =	rddreg [dreg:$0x3];
	s10 =	ssub.s32 s12, s10;
	s12 =	sadd.s32 s3, s8  }
0x33: {  	s14 =	sand.u32 $0x7, s27;
	s11 =	sshll.u32 s11, $0xE;
	s12 =	sadd.s32 s13, s12  }
0x34: {  	s10 =	sshll.u32 s10, $0x4;
	s13 =	sshll.u32 s14, $0x12;
	s12 =	sadd.s32 s9, s12  }
0x35: {  	s11 =	sand.u32 $0x4000, s11;
	s14 =	sadd.s32 s10, s12;
	s12 =	sor.u32 $0x8, s13  }
0x36: {  	[tilespmem:s11], [sflag:$0x1] =	stream.strided.gather [hbm4b:s14+s12], $0x400, s25, s12, $0x38;
	[tilespmem:$0x10100] =	vst v63  }
0x37: {  	s14 =	rddreg [dreg:$0x4]  }
0x38: {  	s13 =	sadd.s32 s3, s14  }
0x39: {  	s13 =	sadd.s32 s8, s13  }
0x3a: {  	s13 =	sadd.s32 s9, s13  }
0x3b: {  	s14 =	sor.u32 $0x400, s11;
	s13 =	sadd.s32 s10, s13  }
0x3c: {  	[tilespmem:s14], [sflag:$0x1] =	stream.strided.gather [hbm4b:s13+s12], $0x400, s25, s12, $0x38;
	[tilespmem:$0x10100] =	vst v63  }
0x3d: {  	s14 =	rddreg [dreg:$0x5]  }
0x3e: {  	s13 =	sadd.s32 s3, s14  }
0x3f: {  	s13 =	sadd.s32 s8, s13  }
0x40: {  	s13 =	sadd.s32 s9, s13  }
0x41: {  	s14 =	sor.u32 $0x800, s11;
	s13 =	sadd.s32 s10, s13  }
0x42: {  	[tilespmem:s14], [sflag:$0x1] =	stream.strided.gather [hbm4b:s13+s12], $0x400, s25, s12, $0x38;
	[tilespmem:$0x10100] =	vst v63  }
0x43: {  	s14 =	rddreg [dreg:$0x6]  }
0x44: {  	s13 =	sadd.s32 s3, s14  }
0x45: {  	s13 =	sadd.s32 s8, s13  }
0x46: {  	s13 =	sadd.s32 s9, s13  }
0x47: {  	s14 =	sor.u32 $0xC00, s11;
	s13 =	sadd.s32 s10, s13  }
0x48: {  	[tilespmem:s14], [sflag:$0x1] =	stream.strided.gather [hbm4b:s13+s12], $0x400, s25, s12, $0x38;
	[tilespmem:$0x10100] =	vst v63  }
0x49: {  	s14 =	rddreg [dreg:$0x7]  }
0x4a: {  	s13 =	sadd.s32 s3, s14  }
0x4b: {  	s13 =	sadd.s32 s8, s13  }
0x4c: {  	s13 =	sadd.s32 s9, s13  }
0x4d: {  	s14 =	sor.u32 $0x1000, s11;
	s13 =	sadd.s32 s10, s13  }
0x4e: {  	[tilespmem:s14], [sflag:$0x1] =	stream.strided.gather [hbm4b:s13+s12], $0x400, s25, s12, $0x38;
	[tilespmem:$0x10100] =	vst v63  }
0x4f: {  	s14 =	rddreg [dreg:$0x8]  }
0x50: {  	s13 =	sadd.s32 s3, s14  }
0x51: {  	s13 =	sadd.s32 s8, s13  }
0x52: {  	s13 =	sadd.s32 s9, s13  }
0x53: {  	s14 =	sor.u32 $0x1400, s11;
	s13 =	sadd.s32 s10, s13  }
0x54: {  	[tilespmem:s14], [sflag:$0x1] =	stream.strided.gather [hbm4b:s13+s12], $0x400, s25, s12, $0x38;
	[tilespmem:$0x10100] =	vst v63  }
0x55: {  	s14 =	rddreg [dreg:$0x9]  }
0x56: {  	s13 =	sadd.s32 s3, s14  }
0x57: {  	s13 =	sadd.s32 s8, s13  }
0x58: {  	s13 =	sadd.s32 s9, s13  }
0x59: {  	s14 =	sor.u32 $0x1800, s11;
	s13 =	sadd.s32 s10, s13  }
0x5a: {  	[tilespmem:s14], [sflag:$0x1] =	stream.strided.gather [hbm4b:s13+s12], $0x400, s25, s12, $0x38;
	[tilespmem:$0x10100] =	vst v63  }
0x5b: {  	s14 =	rddreg [dreg:$0xa]  }
0x5c: {  	s13 =	sadd.s32 s3, s14  }
0x5d: {  	s13 =	sadd.s32 s8, s13  }
0x5e: {  	s13 =	sadd.s32 s9, s13  }
0x5f: {  	s14 =	sor.u32 $0x1C00, s11;
	s13 =	sadd.s32 s10, s13  }
0x60: {  	[tilespmem:s14], [sflag:$0x1] =	stream.strided.gather [hbm4b:s13+s12], $0x400, s25, s12, $0x38;
	[tilespmem:$0x10100] =	vst v63  }
0x61: {  	s14 =	sadd.s32 s3, s15  }
0x62: {  	s13 =	sadd.s32 s8, s14  }
0x63: {  	s13 =	sadd.s32 s9, s13  }
0x64: {  	s14 =	sor.u32 $0x2000, s11;
	s13 =	sadd.s32 s10, s13  }
0x65: {  	[tilespmem:s14], [sflag:$0x1] =	stream.strided.gather [hbm4b:s13+s12], $0x400, s25, s12, $0x38;
	[tilespmem:$0x10100] =	vst v63  }
0x66: {  	s14 =	sadd.s32 s3, s16  }
0x67: {  	s13 =	sadd.s32 s8, s14  }
0x68: {  	s13 =	sadd.s32 s9, s13  }
0x69: {  	s14 =	sor.u32 $0x2400, s11;
	s13 =	sadd.s32 s10, s13  }
0x6a: {  	[tilespmem:s14], [sflag:$0x1] =	stream.strided.gather [hbm4b:s13+s12], $0x400, s25, s12, $0x38;
	[tilespmem:$0x10100] =	vst v63  }
0x6b: {  	s14 =	sadd.s32 s3, s18  }
0x6c: {  	s13 =	sadd.s32 s8, s14  }
0x6d: {  	s13 =	sadd.s32 s9, s13  }
0x6e: {  	s14 =	sor.u32 $0x2800, s11;
	s13 =	sadd.s32 s10, s13  }
0x6f: {  	[tilespmem:s14], [sflag:$0x1] =	stream.strided.gather [hbm4b:s13+s12], $0x400, s25, s12, $0x38;
	[tilespmem:$0x10100] =	vst v63  }
0x70: {  	s14 =	sadd.s32 s3, s19  }
0x71: {  	s13 =	sadd.s32 s8, s14  }
0x72: {  	s13 =	sadd.s32 s9, s13  }
0x73: {  	s14 =	sor.u32 $0x2C00, s11;
	s13 =	sadd.s32 s10, s13  }
0x74: {  	[tilespmem:s14], [sflag:$0x1] =	stream.strided.gather [hbm4b:s13+s12], $0x400, s25, s12, $0x38;
	[tilespmem:$0x10100] =	vst v63  }
0x75: {  	s14 =	sadd.s32 s3, s20  }
0x76: {  	s13 =	sadd.s32 s8, s14  }
0x77: {  	s13 =	sadd.s32 s9, s13  }
0x78: {  	s14 =	sor.u32 $0x3000, s11;
	s13 =	sadd.s32 s10, s13  }
0x79: {  	[tilespmem:s14], [sflag:$0x1] =	stream.strided.gather [hbm4b:s13+s12], $0x400, s25, s12, $0x38;
	[tilespmem:$0x10100] =	vst v63  }
0x7a: {  	s14 =	sadd.s32 s3, s21  }
0x7b: {  	s13 =	sadd.s32 s8, s14  }
0x7c: {  	s13 =	sadd.s32 s9, s13  }
0x7d: {  	s14 =	sor.u32 $0x3400, s11;
	s13 =	sadd.s32 s10, s13  }
0x7e: {  	[tilespmem:s14], [sflag:$0x1] =	stream.strided.gather [hbm4b:s13+s12], $0x400, s25, s12, $0x38;
	[tilespmem:$0x10100] =	vst v63  }
0x7f: {  	s14 =	sadd.s32 s3, s22  }
0x80: {  	s3 =	sadd.s32 s3, s23;
	s13 =	sadd.s32 s8, s14  }
0x81: {  	s3 =	sadd.s32 s8, s3;
	s13 =	sadd.s32 s9, s13  }
0x82: {  	s14 =	sor.u32 $0x3800, s11;
	s3 =	sadd.s32 s9, s3;
	s13 =	sadd.s32 s10, s13  }
0x83: {  	[tilespmem:s14], [sflag:$0x1] =	stream.strided.gather [hbm4b:s13+s12], $0x400, s25, s12, $0x38;
	[tilespmem:$0x10100] =	vst v63  }
0x84: {  	s3 =	sadd.s32 s10, s3;
	s14 =	sor.u32 $0x3C00, s11  }
0x85: {  	[tilespmem:s14], [sflag:$0x1] =	stream.strided.gather [hbm4b:s3+s12], $0x400, s25, s12, $0x38;
	[tilespmem:$0x10100] =	vst v63  }
.LBB1_3:
0x86: {  	s3 =	sadd.s32 $0xFFFFFFFF, s31  }
0x87: {  	p1 =	sge.u32 s3, s17  }
.Ltmp3:
0x88: {  	_ = 	snop;
	(pc) =	sbr.rel @p1 .LBB1_9-.Ltmp3, $1  }
0x89: {  	_ =	sdelay $0x3  }
0x8a: {  	s3 =	simm.s32 $0x1;
	s8 =	sand.u32 $0x1, s31  }
0x8b: {  	s3 =	simm.s32 @!p0 $0x0;
	s10 =	smul.u32 $0x10200, s8  }
0x8c: {  	_ =	swait.ge [sflag:s7], $0x4000;
	s9 =	smul.u32 $0x10200, s3  }
0x8d: {  	[sflag:s7] =	ssyncset.done $0x0;
	s8 =	sshll.u32 s3, $0xE  }
0x8e: {  	[sflag:s7] =	ssyncadd.s32 $0xFFFFC000;
	s14 =	sshrl.u32 s10, $0x2;
	s13 =	sshrl.u32 s9, $0x2  }
0x8f: {  	s10 =	simm.s32 $0x0;
	s3 =	sor.u32 $0x8000, s14;
	s9 =	sor.u32 $0x8000, s13  }
.LBB1_5:
0x90: {  	v0 =	vmov s8;
	_ =	sdelay $0x3  }
0x91: {  	s11 =	simm.s32 $0x0  }
0x92: {  	v1 =	vld.idx.msk [tilespmem:v0+s11+$0x0 ss:$0x1], $0xff;
	_ =	sdelay $0x2  }
0x93: {  	s12 =	simm.s32 $0x20;
	s11 =	smov.u32 s9  }
.LBB1_6:
0x94: {  	s13 =	sshra.s32 s12, $0x2;
	p1 =	sne.s32 s12, $0xFE0;
	s12 =	sadd.s32 $0x20, s12  }
.Ltmp4:
0x95: {  	[tilespmem:s11+$0x0 ss:$0x81] =	vst.msk $0xff, v1;
	v1 =	vld.idx.msk [tilespmem:v0+s13+$0x0 ss:$0x1], $0xff;
	(pc) =	sbr.rel @p1 .LBB1_6-.Ltmp4, $2  }
0x96: {  	_ =	sdelay $0x2  }
0x97: {  	s11 =	sadd.s32 $0x1, s11  }
0x98: {  	s10 =	sadd.s32 $0x1, s10  }
0x99: {  	p1 =	sne.s32 s10, $0x10  }
.Ltmp5:
0x9a: {  	_ = 	snop;
	(pc) =	sbr.rel @p1 .LBB1_5-.Ltmp5, $2  }
0x9b: {  	_ =	sdelay $0x2  }
0x9c: {  	[tilespmem:s11+$0x0 ss:$0x81] =	vst.msk $0xff, v1;
	s8 =	sadd.s32 $0x400, s8;
	s9 =	sadd.s32 $0x408, s9  }
0x9d: {  	s8 =	sshrl.u32 s2, $0x3  }
0x9e: {  	s9 =	sshll.u32 s26, $0x3;
	s8 =	smul.u32 $0x1800, s8  }
0x9f: {  	s11 =	sshll.u32 s2, $0x7;
	s9 =	sand.u32 $0xFFFFFC00, s9  }
0xa0: {  	s2 =	sand.u32 $0x380, s11;
	s8 =	sadd.s32 s9, s8  }
0xa1: {  	s12 =	sand.u32 $0x7F, s26;
	s2 =	sor.u32 s2, s8  }
0xa2: {  	s8 =	sor.u32 s12, s2;
	s2 =	smulhi.u32 $0xAAAAAAAB, s2;
	_ =	sdelay $0x1  }
0xa3: {  	s1 =	smul.u32 $0xD800, s1;
	s2 =	sshrl.u32 s2, $0x9  }
0xa4: {  	s10 =	smulhi.u32 $0xAAAAAAB, s2  }
0xa5: {  	s9 =	smulhi.u32 $0xAAAAAAAB, s8  }
0xa6: {  	s10 =	smul.u32 $0x18, s10  }
0xa7: {  	s0 =	smul.u32 $0x900, s0;
	s9 =	sshrl.u32 s9, $0x9  }
0xa8: {  	s9 =	smul.u32 $0x300, s9;
	s2 =	ssub.s32 s2, s10  }
0xa9: {  	s13 =	rddreg [dreg:$0x1];
	s2 =	smul.u32 $0x60, s2  }
.Ltmp6:
0xaa: {  	s1 =	sadd.s32 s13, s1;
	s8 =	ssub.s32 s8, s9;
	(pc) =	sbr.rel .LBB1_9-.Ltmp6, $4  }
0xab: {  	s0 =	sadd.s32 s0, s1;
	s14 =	sand.u32 $0x7, s8  }
0xac: {  	s8 =	sshrl.u32 s8, $0x3;
	s1 =	sshll.u32 s14, $0x12;
	s0 =	sadd.s32 s2, s0  }
0xad: {  	s26 =	simm.s32 $0x6C000;
	s1 =	sor.u32 $0x400, s1;
	s0 =	sadd.s32 s8, s0  }
0xae: {  	[hbm4b:s0+s1] =	stream.strided.scatter [tilespmem:s3], [sflag:$0x2], $0x4000, s26, s1, $0x20;
	[tilespmem:$0x10100] =	vst v63  }
.LBB1_10:
0xaf: {  	_ =	sfence.sel $0x180000  }
0xb0: {  	s0 =	simm.s32 $0x1;
	[bflag:$0x0] =	sbarrier.arrive $0xFFFF  }
0xb1: {  	s30 =	simm.s32 $0x2;
	[sflag:s0] =	ssyncpa.u1 $0x1  }
0xb2: {  	[sflag:s30] =	ssyncpa.u1 $0x1  }
0xb3: {  	_ =	strace $0x90000047  }
0xb4: {  	s31 =	stileid.u32;
	[bflag:$0x2] =	sbarrier.arrive $0xFFFF  }
0xb5: {  	p0 =	sne.s32 s31, $0x0;
	s0 =	rddreg [dreg:$0x2]  }
0xb6: {  	s0 =	sadd.s32 @!p0 $0x100000, s0  }
0xb7: {  	[sflag:s0] =	ssyncadd.tile.s32 @!p0 $0x1;
	_ =	shalt  }
.Lfunc_end1:
_tile_overlayer_lowered:
.L_overlay_start_2:
0xb8: {  	(tag) =	ssettag $0x2  }
0xb9: {  	s0 =	rddreg [dreg:$0x0];
	s2 =	stileid.u32  }
0xba: {  	s1 =	rddreg [dreg:$0x1];
	p0 =	sne.s32 s2, $0x0  }
0xbb: {  	s3 =	rddreg [dreg:$0x2];
	[bflag:$0x3] =	sbarrier.arrive $0xFFFF;
	s2 =	simm.s32 @!p0 $0x1C01  }
0xbc: {  	[timem:s3], [sflag:s2] =	dma.local @!p0 [hbm:s0], s1  }
0xbd: {  	s0 =	simm.s32 @!p0 $0x1  }
0xbe: {  	_ =	swait.ge @!p0 [sflag:s0], s1  }
0xbf: {  	s1 =	ssub.s32 @!p0 $0x0, s1;
	[sflag:s0] =	ssyncset.done @!p0 $0x0  }
0xc0: {  	[sflag:s0] =	ssyncadd.s32 @!p0 s1  }
0xc1: {  	[bflag:$0x3] =	sbarrier.arrive $0xFFFF  }
0xc2: {  	_ =	shalt  }

</sc_bundles>
